<compile_context>
chip_gen: v7x
topology: tpu7x:2x2x1
jax: 0.10.2.dev20260603
libtpu: 0.0.44.dev20260713+nightly
codegen_flags: <defaults>
</compile_context>

<pallas_src>
import functools

import jax
import jax.numpy as jnp
import numpy as np
from jax import lax
from jax.experimental import pallas as pl
from jax.experimental.pallas import tpu as pltpu
from jax.experimental.pallas import tpu_sc as plsc

_N = 10000
_E = 320000
_L_MAX = 3
_KL = [128, 96, 64, 32]
_NG = 32
_RCUT = 5.0

_C = 512
_NCHUNK = _E // _C
_GRP = 32
_NPAD = ((_N + _GRP - 1) // _GRP) * _GRP
_PACK = 960
_ROFF = [0, 128, 224, 288]
_SHOFF = [0, 1, 4, 9]


_NC, _NS = 2, 16
_NW = _NC * _NS
_GB = 80


def _sc_gather(table, idx, nrows):
    epw = nrows // _NW
    git = epw // _GB

    def body(table_hbm, idx_hbm, out_hbm, idx_v, rows0, rows1, g0, g1, w0, w1):
        wid = lax.axis_index("s") * _NC + lax.axis_index("c")
        base = wid * epw
        pltpu.sync_copy(idx_hbm.at[pl.ds(base, epw)], idx_v)
        rows = (rows0, rows1)
        gsem = (g0, g1)
        wsem = (w0, w1)

        def gather_start(slot, t):
            pltpu.async_copy(
                table_hbm.at[idx_v.at[pl.ds(t * _GB, _GB)]], rows[slot],
                gsem[slot])

        def wb_wait(slot):
            pltpu.make_async_copy(rows[slot], out_hbm.at[pl.ds(0, _GB)],
                                  wsem[slot]).wait()

        gather_start(0, 0)

        def dstep(t2, carry):
            for b in (0, 1):
                t = t2 * 2 + b
                nb = 1 - b

                @pl.when(t >= 1)
                def _():
                    wb_wait(nb)

                @pl.when(t + 1 < git)
                def _():
                    gather_start(nb, t + 1)

                pltpu.make_async_copy(
                    table_hbm.at[idx_v.at[pl.ds(0, _GB)]], rows[b],
                    gsem[b]).wait()
                pltpu.async_copy(rows[b],
                                 out_hbm.at[pl.ds(base + t * _GB, _GB)],
                                 wsem[b])
            return carry

        lax.fori_loop(0, git // 2, dstep, 0)
        if git % 2:
            t = git - 1
            wb_wait(1)
            pltpu.make_async_copy(
                table_hbm.at[idx_v.at[pl.ds(0, _GB)]], rows[0], gsem[0]).wait()
            pltpu.async_copy(rows[0], out_hbm.at[pl.ds(base + t * _GB, _GB)],
                             wsem[0])
            wb_wait(0)
        else:
            wb_wait(1)

    mesh = plsc.VectorSubcoreMesh(core_axis_name="c", subcore_axis_name="s")
    kern = functools.partial(
        pl.kernel,
        mesh=mesh,
        out_type=jax.ShapeDtypeStruct((nrows, 128), jnp.float32),
        scratch_types=[
            pltpu.VMEM((epw,), jnp.int32),
            pltpu.VMEM((_GB, 128), jnp.float32),
            pltpu.VMEM((_GB, 128), jnp.float32),
            pltpu.SemaphoreType.DMA,
            pltpu.SemaphoreType.DMA,
            pltpu.SemaphoreType.DMA,
            pltpu.SemaphoreType.DMA,
        ],
    )(body)
    return kern(table, idx)



_TDN = (((0,), (0,)), ((), ()))


def _tc_body(cf_ref, cl_ref, r1_ref, sh_ref, emb_ref, cen_ref, w_ref,
             p_ref, q_ref, out_ref):
    i = pl.program_id(0)

    @pl.when(i == 0)
    def _zero():
        out_ref[...] = jnp.zeros_like(out_ref)

    r_row = jnp.broadcast_to(r1_ref[...].reshape(1, _C), (_NG, _C))
    mu = lax.broadcasted_iota(jnp.int32, (_NG, 1), 0).astype(jnp.float32) * (
        _RCUT / (_NG - 1))
    sigma = _RCUT / _NG
    gt = jnp.exp(-0.5 * ((r_row - mu) / sigma) ** 2).astype(jnp.bfloat16)
    radial_big = lax.dot_general(gt, w_ref[...], _TDN,
                                 preferred_element_type=jnp.float32)

    t = jnp.clip(r1_ref[...] * (1.0 / _RCUT), 0.0, 1.0)
    x = jnp.float32(np.pi) * (t - 0.5)
    x2 = x * x
    s = x * (1.0 + x2 * (jnp.float32(-1 / 6) + x2 * (jnp.float32(1 / 120)
        + x2 * (jnp.float32(-1 / 5040) + x2 * jnp.float32(1 / 362880)))))
    fcut = 0.5 * (1.0 - s)

    sh_big = lax.dot_general(sh_ref[...].astype(jnp.bfloat16), p_ref[...], _TDN,
                             preferred_element_type=jnp.float32)
    emb_big = jnp.dot(emb_ref[...].astype(jnp.bfloat16), q_ref[...],
                      preferred_element_type=jnp.float32)
    msg = sh_big * radial_big * emb_big

    firstc = cf_ref[i]
    lastc = cl_ref[i]
    o0 = firstc // _GRP
    n_grp = lastc // _GRP - o0 + 1
    cen = cen_ref[...].reshape(1, _C)
    cen_b = jnp.broadcast_to(cen, (_GRP, _C))
    row_ids = lax.broadcasted_iota(jnp.int32, (_GRP, _C), 0)
    fcut_b = jnp.broadcast_to(fcut.reshape(1, _C), (_GRP, _C))

    def group(j, carry):
        o = o0 + j
        sel = jnp.where(cen_b == o * _GRP + row_ids, fcut_b, 0.0)
        dg = jnp.dot(sel, msg, preferred_element_type=jnp.float32)
        row = pl.multiple_of(o * _GRP, _GRP)
        out_ref[pl.ds(row, _GRP), :] = out_ref[pl.ds(row, _GRP), :] + dg
        return carry

    lax.fori_loop(0, n_grp, group, 0)


def _tc_call(cf, cl, r1, sht, emb_g, cen32, wbig, psel, qsel,
             interpret=False):
    nchunk = cen32.shape[0] // _C
    grid_spec = pltpu.PrefetchScalarGridSpec(
        num_scalar_prefetch=2,
        grid=(nchunk,),
        in_specs=[
            pl.BlockSpec((_C,), lambda i, cf, cl: (i,)),
            pl.BlockSpec((16, _C), lambda i, cf, cl: (0, i)),
            pl.BlockSpec((_C, 128), lambda i, cf, cl: (i, 0)),
            pl.BlockSpec((_C,), lambda i, cf, cl: (i,)),
            pl.BlockSpec((_NG, _PACK), lambda i, cf, cl: (0, 0)),
            pl.BlockSpec((16, _PACK), lambda i, cf, cl: (0, 0)),
            pl.BlockSpec((128, _PACK), lambda i, cf, cl: (0, 0)),
        ],
        out_specs=pl.BlockSpec((_NPAD, _PACK), lambda i, cf, cl: (0, 0)),
    )
    return pl.pallas_call(
        _tc_body,
        grid_spec=grid_spec,
        out_shape=jax.ShapeDtypeStruct((_NPAD, _PACK), jnp.float32),
        compiler_params=pltpu.CompilerParams(
            dimension_semantics=("arbitrary",),
            vmem_limit_bytes=128 * 1024 * 1024,
        ),
        interpret=interpret,
    )(cf, cl, r1, sht, emb_g, cen32, wbig, psel, qsel)


def kernel(r, sh_0, sh_1, sh_2, sh_3, centers, neighbors,
           initial_center_embedding, W_0, W_1, W_2, W_3):
    table = initial_center_embedding.reshape(_N, 128)
    idx = neighbors.astype(jnp.int32)

    cen32 = centers.astype(jnp.int32)
    sht = jnp.concatenate(
        [sh_0.T, sh_1.T, sh_2.T, sh_3.T], axis=0)
    wbig = jnp.concatenate(
        [jnp.tile(w, (1, 2 * l + 1)) for l, w in enumerate([W_0, W_1, W_2, W_3])],
        axis=1).astype(jnp.bfloat16)
    psel_np = np.zeros((16, _PACK), np.float32)
    qsel_np = np.zeros((128, _PACK), np.float32)
    col = 0
    for l in range(_L_MAX + 1):
        k = _KL[l]
        for m in range(2 * l + 1):
            psel_np[_SHOFF[l] + m, col:col + k] = 1.0
            qsel_np[np.arange(k), np.arange(col, col + k)] = 1.0
            col += k
    psel = jnp.asarray(psel_np).astype(jnp.bfloat16)
    qsel = jnp.asarray(qsel_np).astype(jnp.bfloat16)

    emb_g = _sc_gather(table, idx, _E)
    packed = _tc_call(cen32[::_C], cen32[_C - 1::_C], r, sht,
                      emb_g, cen32, wbig, psel, qsel)[:_N]

    d0 = packed[:, 0:128].reshape(_N, 1, 128)
    d1 = packed[:, 128:416].reshape(_N, 3, 96)
    d2 = packed[:, 416:736].reshape(_N, 5, 64)
    d3 = packed[:, 736:960].reshape(_N, 7, 32)
    return (d0, d1, d2, d3)

# --- scband reference (transcript-rebuilt; emitter-appended) ---
"""Pipeline reference for scband-message-passer-21474836480308 (READ-ONLY COPY).

The authoritative reference and input builder live on the scoring server;
editing this copy changes nothing except your own understanding.
"""

import jax, jax.numpy as jnp
import numpy as np

N_NODES = 10000
N_EDGES = 320000
L_MAX = 3
K_MAX_L = [128, 96, 64, 32]
N_GAUSS = 32
R_CUT = 5.0


def setup_inputs(seed: int = 0) -> dict:
    key = jax.random.key(seed)
    ks = jax.random.split(key, 16)
    inp = {}
    # edge distances in (0, r_cut)
    inp['r'] = jax.random.uniform(ks[0], (N_EDGES,), minval=0.1, maxval=R_CUT, dtype=jnp.float32)
    # spherical harmonics per l: [E, 2l+1]
    for l in range(L_MAX + 1):
        inp[f'sh_{l}'] = jax.random.normal(ks[1 + l], (N_EDGES, 2 * l + 1), dtype=jnp.float32)
    # edge endpoint indices
    inp['centers'] = jnp.sort(jax.random.randint(ks[5], (N_EDGES,), 0, N_NODES, dtype=jnp.int32)).astype(jnp.int64)
    inp['neighbors'] = jax.random.randint(ks[6], (N_EDGES,), 0, N_NODES, dtype=jnp.int64)
    # initial center embedding: [N, 1, k_max_l[0]] (component dim 1, like TensorBlock values)
    inp['initial_center_embedding'] = jax.random.normal(ks[7], (N_NODES, 1, K_MAX_L[0]), dtype=jnp.float32)
    # learned radial-basis contraction weights per l (RadialBasis splines -> k_max_l channels)
    for l in range(L_MAX + 1):
        inp[f'W_{l}'] = jax.random.normal(ks[8 + l], (N_GAUSS, K_MAX_L[l]), dtype=jnp.float32) / np.sqrt(N_GAUSS)
    return inp


def _radial_basis(r, W_l):
    # Gaussian expansion of distances with smooth cosine cutoff, then per-l linear map
    mu = jnp.linspace(0.0, R_CUT, N_GAUSS, dtype=jnp.float32)
    sigma = R_CUT / N_GAUSS
    G = jnp.exp(-0.5 * ((r[:, None] - mu[None, :]) / sigma) ** 2)
    fcut = 0.5 * (jnp.cos(jnp.pi * jnp.clip(r / R_CUT, 0.0, 1.0)) + 1.0)
    G = G * fcut[:, None]
    return G @ W_l  # [E, k_l]


def reference(r, sh_0, sh_1, sh_2, sh_3, centers, neighbors, initial_center_embedding,
              W_0, W_1, W_2, W_3):
    sh = [sh_0, sh_1, sh_2, sh_3]
    Ws = [W_0, W_1, W_2, W_3]
    emb_nbr = initial_center_embedding[neighbors]  # gather: [E, 1, k_max0]
    densities = []
    for l in range(L_MAX + 1):
        radial_l = _radial_basis(r, Ws[l])  # [E, k_l]
        k_l = radial_l.shape[1]
        # sh_l * radial * neighbor embedding (InvariantMessagePasser message)
        msg = sh[l][:, :, None] * radial_l[:, None, :] * emb_nbr[:, :, :k_l]  # [E, 2l+1, k_l]
        # index_add_ over centers -> segment_sum
        dens_l = jax.ops.segment_sum(msg, centers, num_segments=N_NODES)  # [N, 2l+1, k_l]
        densities.append(dens_l)
    return tuple(densities)

if __name__ == "__main__":
    import jax
    _d = setup_inputs()
    print(jax.jit(kernel)(*tuple(_d.values())))

</pallas_src>

<mosaic_0001>
#map = affine_map<(d0, d1) -> (0, 0)>
#map1 = affine_map<(d0, d1) -> (0)>
module attributes {stable_mosaic.version = 14 : i64} {
  func.func @body(%arg0: i32, %arg1: i32, %arg2: memref<10000x128xf32, #tpu.memory_space<hbm>>, %arg3: memref<320000xi32, #tpu.memory_space<hbm>>, %arg4: memref<320000x128xf32, #tpu.memory_space<hbm>>, %arg5: memref<10000xi32, #tpu.memory_space<vmem>>, %arg6: memref<80x128xf32, #tpu.memory_space<vmem>>, %arg7: memref<80x128xf32, #tpu.memory_space<vmem>>, %arg8: memref<!tpu.dma_semaphore, #tpu.memory_space<semaphore_mem>>, %arg9: memref<!tpu.dma_semaphore, #tpu.memory_space<semaphore_mem>>, %arg10: memref<!tpu.dma_semaphore, #tpu.memory_space<semaphore_mem>>, %arg11: memref<!tpu.dma_semaphore, #tpu.memory_space<semaphore_mem>>) attributes {dimension_semantics = [#tpu.dimension_semantics<core_parallel>, #tpu.dimension_semantics<subcore_parallel>], iteration_bounds = array<i64: 2, 16>, scalar_prefetch = 0 : i64, scratch_operands = 7 : i64, tpu.core_type = #tpu.core_type<sc_vector_subcore>, window_params = [{transform_indices = #map}, {transform_indices = #map1}, {transform_indices = #map}]} {
    %mul3A = arith.constant 2 : i32
    %mul3A_0 = arith.muli %arg1, %mul3A : i32
    %add3A = arith.addi %mul3A_0, %arg0 : i32
    %mul3A_1 = arith.constant 10000 : i32
    %mul3A_2 = arith.muli %add3A, %mul3A_1 : i32
    "tpu.region"() ({
      %run_scoped3A = tpu.sem_alloc : memref<!tpu.dma_semaphore, #tpu.memory_space<semaphore_mem>>
      %dma_start3A_34 = tpu.memref_slice %arg3[%mul3A_2] : memref<320000xi32, #tpu.memory_space<hbm>> -> memref<10000xi32, #tpu.memory_space<hbm>>
      %dma_start3A_35 = tpu.memref_slice %arg3[%mul3A_2] : memref<320000xi32, #tpu.memory_space<hbm>> -> memref<10000xi32, #tpu.memory_space<hbm>>
      tpu.enqueue_dma source(%dma_start3A_35 : memref<10000xi32, #tpu.memory_space<hbm>>) target(%arg5 : memref<10000xi32, #tpu.memory_space<vmem>>) target_semaphore(%run_scoped3A : memref<!tpu.dma_semaphore, #tpu.memory_space<semaphore_mem>>)
      %dma_wait3A_36 = tpu.memref_slice %arg3[%mul3A_2] : memref<320000xi32, #tpu.memory_space<hbm>> -> memref<10000xi32, #tpu.memory_space<hbm>>
      %dma_wait3A_37 = tpu.memref_slice %arg3[%mul3A_2] : memref<320000xi32, #tpu.memory_space<hbm>> -> memref<10000xi32, #tpu.memory_space<hbm>>
      tpu.wait_dma2 semaphore(%run_scoped3A : memref<!tpu.dma_semaphore, #tpu.memory_space<semaphore_mem>>) src(%dma_wait3A_37 : memref<10000xi32, #tpu.memory_space<hbm>>) dst(%arg5 : memref<10000xi32, #tpu.memory_space<vmem>>)
      tpu.yield
    }) : () -> ()
    %dma_start3A = arith.constant 0 : i32
    %dma_start3A_3 = tpu.memref_slice %arg5[%dma_start3A] : memref<10000xi32, #tpu.memory_space<vmem>> -> memref<80xi32, #tpu.memory_space<vmem>>
    %dma_start3A_4 = arith.constant 0 : i32
    %dma_start3A_5 = arith.constant 0 : i32
    %dma_start3A_6 = tpu.memref_slice %arg2[%dma_start3A_4, %dma_start3A_5] : memref<10000x128xf32, #tpu.memory_space<hbm>> -> memref<10000x128xf32, #tpu.memory_space<hbm>>
    tpu.enqueue_indirect_dma source(%dma_start3A_6 : memref<10000x128xf32, #tpu.memory_space<hbm>>) target(%arg6 : memref<80x128xf32, #tpu.memory_space<vmem>>) offsets(%dma_start3A_3 : memref<80xi32, #tpu.memory_space<vmem>>) semaphore(%arg8 : memref<!tpu.dma_semaphore, #tpu.memory_space<semaphore_mem>>)
    %scan3A = arith.constant 0 : i32
    %scan3A_7 = arith.constant 0 : i32
    %scan3A_8 = arith.constant 62 : i32
    %scan3A_9 = arith.addi %scan3A_7, %scan3A_8 : i32
    %scan3A_10 = arith.constant 1 : i32
    scf.for %scan3A_34 = %scan3A_7 to %scan3A_9 step %scan3A_10  : i32 {
      %mul3A_35 = arith.constant 2 : i32
      %mul3A_36 = arith.muli %scan3A_34, %mul3A_35 : i32
      %add3A_37 = arith.constant 0 : i32
      %add3A_38 = arith.addi %mul3A_36, %add3A_37 : i32
      %ge3A = arith.constant 1 : i32
      %ge3A_39 = arith.cmpi sge, %add3A_38, %ge3A : i32
      %convert_element_type3A = arith.extui %ge3A_39 : i1 to i32
      %cond3A = arith.constant 0 : i32
      %cond3A_40 = arith.cmpi ne, %convert_element_type3A, %cond3A : i32
      scf.if %cond3A_40 {
        %dma_wait3A_87 = arith.constant 0 : i32
        %dma_wait3A_88 = arith.constant 0 : i32
        %dma_wait3A_89 = tpu.memref_slice %arg4[%dma_wait3A_87, %dma_wait3A_88] : memref<320000x128xf32, #tpu.memory_space<hbm>> -> memref<80x128xf32, #tpu.memory_space<hbm>>
        %dma_wait3A_90 = arith.constant 0 : i32
        %dma_wait3A_91 = arith.constant 0 : i32
        %dma_wait3A_92 = tpu.memref_slice %arg4[%dma_wait3A_90, %dma_wait3A_91] : memref<320000x128xf32, #tpu.memory_space<hbm>> -> memref<80x128xf32, #tpu.memory_space<hbm>>
        tpu.wait_dma2 semaphore(%arg11 : memref<!tpu.dma_semaphore, #tpu.memory_space<semaphore_mem>>) src(%arg7 : memref<80x128xf32, #tpu.memory_space<vmem>>) dst(%dma_wait3A_92 : memref<80x128xf32, #tpu.memory_space<hbm>>)
      } else {
      }
      %add3A_41 = arith.constant 1 : i32
      %add3A_42 = arith.addi %add3A_38, %add3A_41 : i32
      %lt3A = arith.constant 125 : i32
      %lt3A_43 = arith.cmpi slt, %add3A_42, %lt3A : i32
      %convert_element_type3A_44 = arith.extui %lt3A_43 : i1 to i32
      %cond3A_45 = arith.constant 0 : i32
      %cond3A_46 = arith.cmpi ne, %convert_element_type3A_44, %cond3A_45 : i32
      scf.if %cond3A_46 {
        %add3A_87 = arith.constant 1 : i32
        %add3A_88 = arith.addi %add3A_38, %add3A_87 : i32
        %mul3A_89 = arith.constant 80 : i32
        %mul3A_90 = arith.muli %add3A_88, %mul3A_89 : i32
        %dma_start3A_91 = tpu.memref_slice %arg5[%mul3A_90] : memref<10000xi32, #tpu.memory_space<vmem>> -> memref<80xi32, #tpu.memory_space<vmem>>
        %dma_start3A_92 = arith.constant 0 : i32
        %dma_start3A_93 = arith.constant 0 : i32
        %dma_start3A_94 = tpu.memref_slice %arg2[%dma_start3A_92, %dma_start3A_93] : memref<10000x128xf32, #tpu.memory_space<hbm>> -> memref<10000x128xf32, #tpu.memory_space<hbm>>
        tpu.enqueue_indirect_dma source(%dma_start3A_94 : memref<10000x128xf32, #tpu.memory_space<hbm>>) target(%arg7 : memref<80x128xf32, #tpu.memory_space<vmem>>) offsets(%dma_start3A_91 : memref<80xi32, #tpu.memory_space<vmem>>) semaphore(%arg9 : memref<!tpu.dma_semaphore, #tpu.memory_space<semaphore_mem>>)
      } else {
      }
      %dma_wait3A_47 = arith.constant 0 : i32
      %dma_wait3A_48 = tpu.memref_slice %arg5[%dma_wait3A_47] : memref<10000xi32, #tpu.memory_space<vmem>> -> memref<80xi32, #tpu.memory_space<vmem>>
      %dma_wait3A_49 = arith.constant 0 : i32
      %dma_wait3A_50 = arith.constant 0 : i32
      %dma_wait3A_51 = tpu.memref_slice %arg2[%dma_wait3A_49, %dma_wait3A_50] : memref<10000x128xf32, #tpu.memory_space<hbm>> -> memref<10000x128xf32, #tpu.memory_space<hbm>>
      tpu.wait_indirect_dma semaphore(%arg8 : memref<!tpu.dma_semaphore, #tpu.memory_space<semaphore_mem>>) src(%dma_wait3A_51 : memref<10000x128xf32, #tpu.memory_space<hbm>>) dst(%arg6 : memref<80x128xf32, #tpu.memory_space<vmem>>)
      %mul3A_52 = arith.constant 80 : i32
      %mul3A_53 = arith.muli %add3A_38, %mul3A_52 : i32
      %add3A_54 = arith.addi %mul3A_2, %mul3A_53 : i32
      %dma_start3A_55 = arith.constant 0 : i32
      %dma_start3A_56 = tpu.memref_slice %arg4[%add3A_54, %dma_start3A_55] : memref<320000x128xf32, #tpu.memory_space<hbm>> -> memref<80x128xf32, #tpu.memory_space<hbm>>
      %dma_start3A_57 = arith.constant 0 : i32
      %dma_start3A_58 = tpu.memref_slice %arg4[%add3A_54, %dma_start3A_57] : memref<320000x128xf32, #tpu.memory_space<hbm>> -> memref<80x128xf32, #tpu.memory_space<hbm>>
      tpu.enqueue_dma source(%arg6 : memref<80x128xf32, #tpu.memory_space<vmem>>) target(%dma_start3A_58 : memref<80x128xf32, #tpu.memory_space<hbm>>) target_semaphore(%arg10 : memref<!tpu.dma_semaphore, #tpu.memory_space<semaphore_mem>>)
      %mul3A_59 = arith.constant 2 : i32
      %mul3A_60 = arith.muli %scan3A_34, %mul3A_59 : i32
      %add3A_61 = arith.constant 1 : i32
      %add3A_62 = arith.addi %mul3A_60, %add3A_61 : i32
      %ge3A_63 = arith.constant 1 : i32
      %ge3A_64 = arith.cmpi sge, %add3A_62, %ge3A_63 : i32
      %convert_element_type3A_65 = arith.extui %ge3A_64 : i1 to i32
      %cond3A_66 = arith.constant 0 : i32
      %cond3A_67 = arith.cmpi ne, %convert_element_type3A_65, %cond3A_66 : i32
      scf.if %cond3A_67 {
        %dma_wait3A_87 = arith.constant 0 : i32
        %dma_wait3A_88 = arith.constant 0 : i32
        %dma_wait3A_89 = tpu.memref_slice %arg4[%dma_wait3A_87, %dma_wait3A_88] : memref<320000x128xf32, #tpu.memory_space<hbm>> -> memref<80x128xf32, #tpu.memory_space<hbm>>
        %dma_wait3A_90 = arith.constant 0 : i32
        %dma_wait3A_91 = arith.constant 0 : i32
        %dma_wait3A_92 = tpu.memref_slice %arg4[%dma_wait3A_90, %dma_wait3A_91] : memref<320000x128xf32, #tpu.memory_space<hbm>> -> memref<80x128xf32, #tpu.memory_space<hbm>>
        tpu.wait_dma2 semaphore(%arg10 : memref<!tpu.dma_semaphore, #tpu.memory_space<semaphore_mem>>) src(%arg6 : memref<80x128xf32, #tpu.memory_space<vmem>>) dst(%dma_wait3A_92 : memref<80x128xf32, #tpu.memory_space<hbm>>)
      } else {
      }
      %add3A_68 = arith.constant 1 : i32
      %add3A_69 = arith.addi %add3A_62, %add3A_68 : i32
      %lt3A_70 = arith.constant 125 : i32
      %lt3A_71 = arith.cmpi slt, %add3A_69, %lt3A_70 : i32
      %convert_element_type3A_72 = arith.extui %lt3A_71 : i1 to i32
      %cond3A_73 = arith.constant 0 : i32
      %cond3A_74 = arith.cmpi ne, %convert_element_type3A_72, %cond3A_73 : i32
      scf.if %cond3A_74 {
        %add3A_87 = arith.constant 1 : i32
        %add3A_88 = arith.addi %add3A_62, %add3A_87 : i32
        %mul3A_89 = arith.constant 80 : i32
        %mul3A_90 = arith.muli %add3A_88, %mul3A_89 : i32
        %dma_start3A_91 = tpu.memref_slice %arg5[%mul3A_90] : memref<10000xi32, #tpu.memory_space<vmem>> -> memref<80xi32, #tpu.memory_space<vmem>>
        %dma_start3A_92 = arith.constant 0 : i32
        %dma_start3A_93 = arith.constant 0 : i32
        %dma_start3A_94 = tpu.memref_slice %arg2[%dma_start3A_92, %dma_start3A_93] : memref<10000x128xf32, #tpu.memory_space<hbm>> -> memref<10000x128xf32, #tpu.memory_space<hbm>>
        tpu.enqueue_indirect_dma source(%dma_start3A_94 : memref<10000x128xf32, #tpu.memory_space<hbm>>) target(%arg6 : memref<80x128xf32, #tpu.memory_space<vmem>>) offsets(%dma_start3A_91 : memref<80xi32, #tpu.memory_space<vmem>>) semaphore(%arg8 : memref<!tpu.dma_semaphore, #tpu.memory_space<semaphore_mem>>)
      } else {
      }
      %dma_wait3A_75 = arith.constant 0 : i32
      %dma_wait3A_76 = tpu.memref_slice %arg5[%dma_wait3A_75] : memref<10000xi32, #tpu.memory_space<vmem>> -> memref<80xi32, #tpu.memory_space<vmem>>
      %dma_wait3A_77 = arith.constant 0 : i32
      %dma_wait3A_78 = arith.constant 0 : i32
      %dma_wait3A_79 = tpu.memref_slice %arg2[%dma_wait3A_77, %dma_wait3A_78] : memref<10000x128xf32, #tpu.memory_space<hbm>> -> memref<10000x128xf32, #tpu.memory_space<hbm>>
      tpu.wait_indirect_dma semaphore(%arg9 : memref<!tpu.dma_semaphore, #tpu.memory_space<semaphore_mem>>) src(%dma_wait3A_79 : memref<10000x128xf32, #tpu.memory_space<hbm>>) dst(%arg7 : memref<80x128xf32, #tpu.memory_space<vmem>>)
      %mul3A_80 = arith.constant 80 : i32
      %mul3A_81 = arith.muli %add3A_62, %mul3A_80 : i32
      %add3A_82 = arith.addi %mul3A_2, %mul3A_81 : i32
      %dma_start3A_83 = arith.constant 0 : i32
      %dma_start3A_84 = tpu.memref_slice %arg4[%add3A_82, %dma_start3A_83] : memref<320000x128xf32, #tpu.memory_space<hbm>> -> memref<80x128xf32, #tpu.memory_space<hbm>>
      %dma_start3A_85 = arith.constant 0 : i32
      %dma_start3A_86 = tpu.memref_slice %arg4[%add3A_82, %dma_start3A_85] : memref<320000x128xf32, #tpu.memory_space<hbm>> -> memref<80x128xf32, #tpu.memory_space<hbm>>
      tpu.enqueue_dma source(%arg7 : memref<80x128xf32, #tpu.memory_space<vmem>>) target(%dma_start3A_86 : memref<80x128xf32, #tpu.memory_space<hbm>>) target_semaphore(%arg11 : memref<!tpu.dma_semaphore, #tpu.memory_space<semaphore_mem>>)
    }
    %scan3A_11 = arith.constant 62 : i32
    %dma_wait3A = arith.constant 0 : i32
    %dma_wait3A_12 = arith.constant 0 : i32
    %dma_wait3A_13 = tpu.memref_slice %arg4[%dma_wait3A, %dma_wait3A_12] : memref<320000x128xf32, #tpu.memory_space<hbm>> -> memref<80x128xf32, #tpu.memory_space<hbm>>
    %dma_wait3A_14 = arith.constant 0 : i32
    %dma_wait3A_15 = arith.constant 0 : i32
    %dma_wait3A_16 = tpu.memref_slice %arg4[%dma_wait3A_14, %dma_wait3A_15] : memref<320000x128xf32, #tpu.memory_space<hbm>> -> memref<80x128xf32, #tpu.memory_space<hbm>>
    tpu.wait_dma2 semaphore(%arg11 : memref<!tpu.dma_semaphore, #tpu.memory_space<semaphore_mem>>) src(%arg7 : memref<80x128xf32, #tpu.memory_space<vmem>>) dst(%dma_wait3A_16 : memref<80x128xf32, #tpu.memory_space<hbm>>)
    %dma_wait3A_17 = arith.constant 0 : i32
    %dma_wait3A_18 = tpu.memref_slice %arg5[%dma_wait3A_17] : memref<10000xi32, #tpu.memory_space<vmem>> -> memref<80xi32, #tpu.memory_space<vmem>>
    %dma_wait3A_19 = arith.constant 0 : i32
    %dma_wait3A_20 = arith.constant 0 : i32
    %dma_wait3A_21 = tpu.memref_slice %arg2[%dma_wait3A_19, %dma_wait3A_20] : memref<10000x128xf32, #tpu.memory_space<hbm>> -> memref<10000x128xf32, #tpu.memory_space<hbm>>
    tpu.wait_indirect_dma semaphore(%arg8 : memref<!tpu.dma_semaphore, #tpu.memory_space<semaphore_mem>>) src(%dma_wait3A_21 : memref<10000x128xf32, #tpu.memory_space<hbm>>) dst(%arg6 : memref<80x128xf32, #tpu.memory_space<vmem>>)
    %add3A_22 = arith.constant 9920 : i32
    %add3A_23 = arith.addi %mul3A_2, %add3A_22 : i32
    %dma_start3A_24 = arith.constant 0 : i32
    %dma_start3A_25 = tpu.memref_slice %arg4[%add3A_23, %dma_start3A_24] : memref<320000x128xf32, #tpu.memory_space<hbm>> -> memref<80x128xf32, #tpu.memory_space<hbm>>
    %dma_start3A_26 = arith.constant 0 : i32
    %dma_start3A_27 = tpu.memref_slice %arg4[%add3A_23, %dma_start3A_26] : memref<320000x128xf32, #tpu.memory_space<hbm>> -> memref<80x128xf32, #tpu.memory_space<hbm>>
    tpu.enqueue_dma source(%arg6 : memref<80x128xf32, #tpu.memory_space<vmem>>) target(%dma_start3A_27 : memref<80x128xf32, #tpu.memory_space<hbm>>) target_semaphore(%arg10 : memref<!tpu.dma_semaphore, #tpu.memory_space<semaphore_mem>>)
    %dma_wait3A_28 = arith.constant 0 : i32
    %dma_wait3A_29 = arith.constant 0 : i32
    %dma_wait3A_30 = tpu.memref_slice %arg4[%dma_wait3A_28, %dma_wait3A_29] : memref<320000x128xf32, #tpu.memory_space<hbm>> -> memref<80x128xf32, #tpu.memory_space<hbm>>
    %dma_wait3A_31 = arith.constant 0 : i32
    %dma_wait3A_32 = arith.constant 0 : i32
    %dma_wait3A_33 = tpu.memref_slice %arg4[%dma_wait3A_31, %dma_wait3A_32] : memref<320000x128xf32, #tpu.memory_space<hbm>> -> memref<80x128xf32, #tpu.memory_space<hbm>>
    tpu.wait_dma2 semaphore(%arg10 : memref<!tpu.dma_semaphore, #tpu.memory_space<semaphore_mem>>) src(%arg6 : memref<80x128xf32, #tpu.memory_space<vmem>>) dst(%dma_wait3A_33 : memref<80x128xf32, #tpu.memory_space<hbm>>)
    return
  }
}

module attributes {stable_mosaic.version = 14 : i64} {
  func.func @_tc_body(%arg0: i32, %arg1: memref<625xi32, #tpu.memory_space<smem>>, %arg2: memref<625xi32, #tpu.memory_space<smem>>, %arg3: memref<512xf32, #tpu.memory_space<vmem>>, %arg4: memref<16x512xf32, #tpu.memory_space<vmem>>, %arg5: memref<512x128xf32, #tpu.memory_space<vmem>>, %arg6: memref<512xi32, #tpu.memory_space<vmem>>, %arg7: memref<32x960xbf16, #tpu.memory_space<vmem>>, %arg8: memref<16x960xbf16, #tpu.memory_space<vmem>>, %arg9: memref<128x960xbf16, #tpu.memory_space<vmem>>, %arg10: memref<10016x960xf32, #tpu.memory_space<vmem>>) attributes {dimension_semantics = [#tpu.dimension_semantics<arbitrary>], iteration_bounds = array<i64: 625>, scalar_prefetch = 2 : i64, scratch_operands = 0 : i64, tpu.core_type = #tpu.core_type<tc>, window_params = [{transform_indices = @transform_0, window_bounds = array<i64: 512>}, {transform_indices = @transform_1, window_bounds = array<i64: 16, 512>}, {transform_indices = @transform_2, window_bounds = array<i64: 512, 128>}, {transform_indices = @transform_3, window_bounds = array<i64: 512>}, {pipeline_mode = #tpu.pipeline_mode<synchronous>, transform_indices = @transform_4, window_bounds = array<i64: 32, 960>}, {pipeline_mode = #tpu.pipeline_mode<synchronous>, transform_indices = @transform_5, window_bounds = array<i64: 16, 960>}, {pipeline_mode = #tpu.pipeline_mode<synchronous>, transform_indices = @transform_6, window_bounds = array<i64: 128, 960>}, {pipeline_mode = #tpu.pipeline_mode<synchronous>, transform_indices = @transform_7, window_bounds = array<i64: 10016, 960>}]} {
    %eq3A = arith.constant 0 : i32
    %eq3A_0 = arith.cmpi eq, %arg0, %eq3A : i32
    %convert_element_type3A = arith.extui %eq3A_0 : i1 to i32
    %cond3A = arith.constant 0 : i32
    %cond3A_1 = arith.cmpi ne, %convert_element_type3A, %cond3A : i32
    scf.if %cond3A_1 {
      %broadcast_in_dim3A_145 = arith.constant 0.000000e+00 : f32
      %broadcast_in_dim3A_146 = vector.broadcast %broadcast_in_dim3A_145 : f32 to vector<10016x960xf32>
      %swap3A = arith.constant 0 : index
      %swap3A_147 = arith.constant 0 : index
      %swap3A_148 = vector.load %arg10[%swap3A, %swap3A_147] : memref<10016x960xf32, #tpu.memory_space<vmem>>, vector<10016x960xf32>
      tpu.vector_store %arg10[%swap3A, %swap3A_147], %broadcast_in_dim3A_146 {strides = array<i32>} : memref<10016x960xf32, #tpu.memory_space<vmem>>, vector<10016x960xf32>,
    } else {
    }
    %get3A = arith.constant 0 : index
    %get3A_2 = vector.load %arg3[%get3A] : memref<512xf32, #tpu.memory_space<vmem>>, vector<512xf32>
    %reshape3A = vector.shape_cast %get3A_2 : vector<512xf32> to vector<1x512xf32>
    %broadcast_in_dim3A = vector.shape_cast %reshape3A : vector<1x512xf32> to vector<1x512xf32>
    %broadcast_in_dim3A_3 = vector.broadcast %broadcast_in_dim3A : vector<1x512xf32> to vector<32x512xf32>
    %iota3A = tpu.iota {dimensions = array<i32: 0>} : vector<32x1xi32>
    %convert_element_type3A_4 = arith.sitofp %iota3A : vector<32x1xi32> to vector<32x1xf32>
    %mul3A = arith.constant 0.161290318 : f32
    %mul3A_5 = vector.broadcast %mul3A : f32 to vector<32x1xf32>
    %mul3A_6 = arith.mulf %convert_element_type3A_4, %mul3A_5 : vector<32x1xf32>
    %sub3A = vector.broadcast %mul3A_6 : vector<32x1xf32> to vector<32x512xf32>
    %sub3A_7 = arith.subf %broadcast_in_dim3A_3, %sub3A : vector<32x512xf32>
    %div3A = arith.constant 1.562500e-01 : f32
    %div3A_8 = vector.broadcast %div3A : f32 to vector<32x512xf32>
    %div3A_9 = arith.divf %sub3A_7, %div3A_8 : vector<32x512xf32>
    %integer_pow3A = arith.mulf %div3A_9, %div3A_9 : vector<32x512xf32>
    %mul3A_10 = arith.constant -5.000000e-01 : f32
    %mul3A_11 = vector.broadcast %mul3A_10 : f32 to vector<32x512xf32>
    %mul3A_12 = arith.mulf %mul3A_11, %integer_pow3A : vector<32x512xf32>
    %exp3A = math.exp %mul3A_12 : vector<32x512xf32>
    %convert_element_type3A_13 = arith.truncf %exp3A : vector<32x512xf32> to vector<32x512xbf16>
    %get3A_14 = arith.constant 0 : index
    %get3A_15 = arith.constant 0 : index
    %get3A_16 = vector.load %arg7[%get3A_14, %get3A_15] : memref<32x960xbf16, #tpu.memory_space<vmem>>, vector<32x960xbf16>
    %dot_general3A = arith.constant dense<0.000000e+00> : vector<512x960xf32>
    %dot_general3A_17 = tpu.matmul %convert_element_type3A_13, %get3A_16, %dot_general3A {dimension_numbers = #tpu.dot_dimension_numbers<[0], [0], [1], [1], [0, 1, 1, 1], [], []>, transpose_lhs_hint = false} : vector<32x512xbf16>, vector<32x960xbf16>, vector<512x960xf32> -> vector<512x960xf32>
    %get3A_18 = arith.constant 0 : index
    %get3A_19 = vector.load %arg3[%get3A_18] : memref<512xf32, #tpu.memory_space<vmem>>, vector<512xf32>
    %mul3A_20 = arith.constant 2.000000e-01 : f32
    %mul3A_21 = vector.broadcast %mul3A_20 : f32 to vector<512xf32>
    %mul3A_22 = arith.mulf %get3A_19, %mul3A_21 : vector<512xf32>
    %jit3A = arith.constant 0.000000e+00 : f32
    %jit3A_23 = arith.constant 1.000000e+00 : f32
    %max3A = vector.broadcast %jit3A : f32 to vector<512xf32>
    %max3A_24 = arith.maximumf %max3A, %mul3A_22 : vector<512xf32>
    %min3A = vector.broadcast %jit3A_23 : f32 to vector<512xf32>
    %min3A_25 = arith.minimumf %min3A, %max3A_24 : vector<512xf32>
    %sub3A_26 = arith.constant 5.000000e-01 : f32
    %sub3A_27 = vector.broadcast %sub3A_26 : f32 to vector<512xf32>
    %sub3A_28 = arith.subf %min3A_25, %sub3A_27 : vector<512xf32>
    %mul3A_29 = arith.constant 3.14159274 : f32
    %mul3A_30 = vector.broadcast %mul3A_29 : f32 to vector<512xf32>
    %mul3A_31 = arith.mulf %mul3A_30, %sub3A_28 : vector<512xf32>
    %mul3A_32 = arith.mulf %mul3A_31, %mul3A_31 : vector<512xf32>
    %mul3A_33 = arith.constant 2.75573188E-6 : f32
    %mul3A_34 = vector.broadcast %mul3A_33 : f32 to vector<512xf32>
    %mul3A_35 = arith.mulf %mul3A_32, %mul3A_34 : vector<512xf32>
    %add3A = arith.constant -1.98412701E-4 : f32
    %add3A_36 = vector.broadcast %add3A : f32 to vector<512xf32>
    %add3A_37 = arith.addf %add3A_36, %mul3A_35 : vector<512xf32>
    %mul3A_38 = arith.mulf %mul3A_32, %add3A_37 : vector<512xf32>
    %add3A_39 = arith.constant 0.00833333377 : f32
    %add3A_40 = vector.broadcast %add3A_39 : f32 to vector<512xf32>
    %add3A_41 = arith.addf %add3A_40, %mul3A_38 : vector<512xf32>
    %mul3A_42 = arith.mulf %mul3A_32, %add3A_41 : vector<512xf32>
    %add3A_43 = arith.constant -0.166666672 : f32
    %add3A_44 = vector.broadcast %add3A_43 : f32 to vector<512xf32>
    %add3A_45 = arith.addf %add3A_44, %mul3A_42 : vector<512xf32>
    %mul3A_46 = arith.mulf %mul3A_32, %add3A_45 : vector<512xf32>
    %add3A_47 = arith.constant 1.000000e+00 : f32
    %add3A_48 = vector.broadcast %add3A_47 : f32 to vector<512xf32>
    %add3A_49 = arith.addf %add3A_48, %mul3A_46 : vector<512xf32>
    %mul3A_50 = arith.mulf %mul3A_31, %add3A_49 : vector<512xf32>
    %sub3A_51 = arith.constant 1.000000e+00 : f32
    %sub3A_52 = vector.broadcast %sub3A_51 : f32 to vector<512xf32>
    %sub3A_53 = arith.subf %sub3A_52, %mul3A_50 : vector<512xf32>
    %mul3A_54 = arith.constant 5.000000e-01 : f32
    %mul3A_55 = vector.broadcast %mul3A_54 : f32 to vector<512xf32>
    %mul3A_56 = arith.mulf %mul3A_55, %sub3A_53 : vector<512xf32>
    %get3A_57 = arith.constant 0 : index
    %get3A_58 = arith.constant 0 : index
    %get3A_59 = vector.load %arg4[%get3A_57, %get3A_58] : memref<16x512xf32, #tpu.memory_space<vmem>>, vector<16x512xf32>
    %convert_element_type3A_60 = arith.truncf %get3A_59 : vector<16x512xf32> to vector<16x512xbf16>
    %get3A_61 = arith.constant 0 : index
    %get3A_62 = arith.constant 0 : index
    %get3A_63 = vector.load %arg8[%get3A_61, %get3A_62] : memref<16x960xbf16, #tpu.memory_space<vmem>>, vector<16x960xbf16>
    %dot_general3A_64 = arith.constant dense<0.000000e+00> : vector<512x960xf32>
    %dot_general3A_65 = tpu.matmul %convert_element_type3A_60, %get3A_63, %dot_general3A_64 {dimension_numbers = #tpu.dot_dimension_numbers<[0], [0], [1], [1], [0, 1, 1, 1], [], []>, transpose_lhs_hint = false} : vector<16x512xbf16>, vector<16x960xbf16>, vector<512x960xf32> -> vector<512x960xf32>
    %get3A_66 = arith.constant 0 : index
    %get3A_67 = arith.constant 0 : index
    %get3A_68 = vector.load %arg5[%get3A_66, %get3A_67] : memref<512x128xf32, #tpu.memory_space<vmem>>, vector<512x128xf32>
    %convert_element_type3A_69 = arith.truncf %get3A_68 : vector<512x128xf32> to vector<512x128xbf16>
    %get3A_70 = arith.constant 0 : index
    %get3A_71 = arith.constant 0 : index
    %get3A_72 = vector.load %arg9[%get3A_70, %get3A_71] : memref<128x960xbf16, #tpu.memory_space<vmem>>, vector<128x960xbf16>
    %dot_general3A_73 = arith.constant dense<0.000000e+00> : vector<512x960xf32>
    %dot_general3A_74 = tpu.matmul %convert_element_type3A_69, %get3A_72, %dot_general3A_73 {dimension_numbers = #tpu.dot_dimension_numbers<[1], [0], [0], [1], [0, 0, 1, 1], [], []>, transpose_lhs_hint = false} : vector<512x128xbf16>, vector<128x960xbf16>, vector<512x960xf32> -> vector<512x960xf32>
    %mul3A_75 = arith.mulf %dot_general3A_65, %dot_general3A_17 : vector<512x960xf32>
    %mul3A_76 = arith.mulf %mul3A_75, %dot_general3A_74 : vector<512x960xf32>
    %get3A_77 = arith.index_cast %arg0 : i32 to index
    %get3A_78 = memref.load %arg1[%get3A_77] : memref<625xi32, #tpu.memory_space<smem>>
    %get3A_79 = arith.index_cast %arg0 : i32 to index
    %get3A_80 = memref.load %arg2[%get3A_79] : memref<625xi32, #tpu.memory_space<smem>>
    %jit3A_81 = arith.constant 32 : i32
    %div3A_82 = arith.divsi %get3A_78, %jit3A_81 : i32
    %sign3A = arith.constant 0 : i32
    %sign3A_83 = arith.cmpi sgt, %get3A_78, %sign3A : i32
    %sign3A_84 = arith.extui %sign3A_83 : i1 to i32
    %sign3A_85 = arith.constant 0 : i32
    %sign3A_86 = arith.cmpi slt, %get3A_78, %sign3A_85 : i32
    %sign3A_87 = arith.extui %sign3A_86 : i1 to i32
    %sign3A_88 = arith.subi %sign3A_84, %sign3A_87 : i32
    %sign3A_89 = arith.constant 0 : i32
    %sign3A_90 = arith.cmpi sgt, %jit3A_81, %sign3A_89 : i32
    %sign3A_91 = arith.extui %sign3A_90 : i1 to i32
    %sign3A_92 = arith.constant 0 : i32
    %sign3A_93 = arith.cmpi slt, %jit3A_81, %sign3A_92 : i32
    %sign3A_94 = arith.extui %sign3A_93 : i1 to i32
    %sign3A_95 = arith.subi %sign3A_91, %sign3A_94 : i32
    %ne3A = arith.cmpi ne, %sign3A_88, %sign3A_95 : i32
    %rem3A = arith.remsi %get3A_78, %jit3A_81 : i32
    %ne3A_96 = arith.constant 0 : i32
    %ne3A_97 = arith.cmpi ne, %rem3A, %ne3A_96 : i32
    %and3A = arith.andi %ne3A, %ne3A_97 : i1
    %sub3A_98 = arith.constant 1 : i32
    %sub3A_99 = arith.subi %div3A_82, %sub3A_98 : i32
    %select_n3A = arith.select %and3A, %sub3A_99, %div3A_82 : i32
    %jit3A_100 = arith.constant 32 : i32
    %div3A_101 = arith.divsi %get3A_80, %jit3A_100 : i32
    %sign3A_102 = arith.constant 0 : i32
    %sign3A_103 = arith.cmpi sgt, %get3A_80, %sign3A_102 : i32
    %sign3A_104 = arith.extui %sign3A_103 : i1 to i32
    %sign3A_105 = arith.constant 0 : i32
    %sign3A_106 = arith.cmpi slt, %get3A_80, %sign3A_105 : i32
    %sign3A_107 = arith.extui %sign3A_106 : i1 to i32
    %sign3A_108 = arith.subi %sign3A_104, %sign3A_107 : i32
    %sign3A_109 = arith.constant 0 : i32
    %sign3A_110 = arith.cmpi sgt, %jit3A_100, %sign3A_109 : i32
    %sign3A_111 = arith.extui %sign3A_110 : i1 to i32
    %sign3A_112 = arith.constant 0 : i32
    %sign3A_113 = arith.cmpi slt, %jit3A_100, %sign3A_112 : i32
    %sign3A_114 = arith.extui %sign3A_113 : i1 to i32
    %sign3A_115 = arith.subi %sign3A_111, %sign3A_114 : i32
    %ne3A_116 = arith.cmpi ne, %sign3A_108, %sign3A_115 : i32
    %rem3A_117 = arith.remsi %get3A_80, %jit3A_100 : i32
    %ne3A_118 = arith.constant 0 : i32
    %ne3A_119 = arith.cmpi ne, %rem3A_117, %ne3A_118 : i32
    %and3A_120 = arith.andi %ne3A_116, %ne3A_119 : i1
    %sub3A_121 = arith.constant 1 : i32
    %sub3A_122 = arith.subi %div3A_101, %sub3A_121 : i32
    %select_n3A_123 = arith.select %and3A_120, %sub3A_122, %div3A_101 : i32
    %sub3A_124 = arith.subi %select_n3A_123, %select_n3A : i32
    %add3A_125 = arith.constant 1 : i32
    %add3A_126 = arith.addi %sub3A_124, %add3A_125 : i32
    %get3A_127 = arith.constant 0 : index
    %get3A_128 = vector.load %arg6[%get3A_127] : memref<512xi32, #tpu.memory_space<vmem>>, vector<512xi32>
    %reshape3A_129 = vector.shape_cast %get3A_128 : vector<512xi32> to vector<1x512xi32>
    %broadcast_in_dim3A_130 = vector.shape_cast %reshape3A_129 : vector<1x512xi32> to vector<1x512xi32>
    %broadcast_in_dim3A_131 = vector.broadcast %broadcast_in_dim3A_130 : vector<1x512xi32> to vector<32x512xi32>
    %iota3A_132 = tpu.iota {dimensions = array<i32: 0>} : vector<32x512xi32>
    %reshape3A_133 = vector.shape_cast %mul3A_56 : vector<512xf32> to vector<1x512xf32>
    %broadcast_in_dim3A_134 = vector.shape_cast %reshape3A_133 : vector<1x512xf32> to vector<1x512xf32>
    %broadcast_in_dim3A_135 = vector.broadcast %broadcast_in_dim3A_134 : vector<1x512xf32> to vector<32x512xf32>
    %while3A = arith.constant 0 : i32
    %while3A_136 = arith.constant 0 : i32
    %while3A_137 = arith.subi %add3A_126, %while3A_136 : i32
    %while3A_138 = arith.addi %while3A_136, %while3A_137 : i32
    %while3A_139 = arith.constant 1 : i32
    %while3A_140 = arith.divsi %while3A_137, %while3A_139 : i32
    %while3A_141 = arith.muli %while3A_140, %while3A_139 : i32
    %while3A_142 = arith.addi %while3A_136, %while3A_141 : i32
    %while3A_143 = arith.constant 1 : i32
    scf.for %while3A_145 = %while3A_136 to %while3A_142 step %while3A_143  : i32 {
      %add3A_146 = arith.addi %select_n3A, %while3A_145 : i32
      %mul3A_147 = arith.constant 32 : i32
      %mul3A_148 = arith.muli %add3A_146, %mul3A_147 : i32
      %add3A_149 = vector.broadcast %mul3A_148 : i32 to vector<32x512xi32>
      %add3A_150 = arith.addi %add3A_149, %iota3A_132 : vector<32x512xi32>
      %eq3A_151 = arith.cmpi eq, %broadcast_in_dim3A_131, %add3A_150 : vector<32x512xi32>
      %jit3A_152 = arith.constant 0.000000e+00 : f32
      %broadcast_in_dim3A_153 = vector.broadcast %jit3A_152 : f32 to vector<32x512xf32>
      %select_n3A_154 = arith.select %eq3A_151, %broadcast_in_dim3A_135, %broadcast_in_dim3A_153 : vector<32x512xi1>, vector<32x512xf32>
      %dot_general3A_155 = arith.constant dense<0.000000e+00> : vector<32x960xf32>
      %dot_general3A_156 = tpu.matmul %select_n3A_154, %mul3A_76, %dot_general3A_155 {dimension_numbers = #tpu.dot_dimension_numbers<[1], [0], [0], [1], [0, 0, 1, 1], [], []>, transpose_lhs_hint = false} : vector<32x512xf32>, vector<512x960xf32>, vector<32x960xf32> -> vector<32x960xf32>
      %mul3A_157 = arith.constant 32 : i32
      %mul3A_158 = arith.muli %add3A_146, %mul3A_157 : i32
      %multiple_of3A = tpu.assume_multiple %mul3A_158, 32 : i32
      %get3A_159 = arith.index_cast %multiple_of3A : i32 to index
      %get3A_160 = arith.constant 0 : index
      %get3A_161 = vector.load %arg10[%get3A_159, %get3A_160] : memref<10016x960xf32, #tpu.memory_space<vmem>>, vector<32x960xf32>
      %add3A_162 = arith.addf %get3A_161, %dot_general3A_156 : vector<32x960xf32>
      %swap3A = arith.index_cast %multiple_of3A : i32 to index
      %swap3A_163 = arith.constant 0 : index
      %swap3A_164 = vector.load %arg10[%swap3A, %swap3A_163] : memref<10016x960xf32, #tpu.memory_space<vmem>>, vector<32x960xf32>
      tpu.vector_store %arg10[%swap3A, %swap3A_163], %add3A_162 {strides = array<i32>} : memref<10016x960xf32, #tpu.memory_space<vmem>>, vector<32x960xf32>,
    }
    %while3A_144 = arith.constant 1 : i32
    scf.for %while3A_145 = %while3A_142 to %while3A_138 step %while3A_144  : i32 {
      %add3A_146 = arith.addi %select_n3A, %while3A_145 : i32
      %mul3A_147 = arith.constant 32 : i32
      %mul3A_148 = arith.muli %add3A_146, %mul3A_147 : i32
      %add3A_149 = vector.broadcast %mul3A_148 : i32 to vector<32x512xi32>
      %add3A_150 = arith.addi %add3A_149, %iota3A_132 : vector<32x512xi32>
      %eq3A_151 = arith.cmpi eq, %broadcast_in_dim3A_131, %add3A_150 : vector<32x512xi32>
      %jit3A_152 = arith.constant 0.000000e+00 : f32
      %broadcast_in_dim3A_153 = vector.broadcast %jit3A_152 : f32 to vector<32x512xf32>
      %select_n3A_154 = arith.select %eq3A_151, %broadcast_in_dim3A_135, %broadcast_in_dim3A_153 : vector<32x512xi1>, vector<32x512xf32>
      %dot_general3A_155 = arith.constant dense<0.000000e+00> : vector<32x960xf32>
      %dot_general3A_156 = tpu.matmul %select_n3A_154, %mul3A_76, %dot_general3A_155 {dimension_numbers = #tpu.dot_dimension_numbers<[1], [0], [0], [1], [0, 0, 1, 1], [], []>, transpose_lhs_hint = false} : vector<32x512xf32>, vector<512x960xf32>, vector<32x960xf32> -> vector<32x960xf32>
      %mul3A_157 = arith.constant 32 : i32
      %mul3A_158 = arith.muli %add3A_146, %mul3A_157 : i32
      %multiple_of3A = tpu.assume_multiple %mul3A_158, 32 : i32
      %get3A_159 = arith.index_cast %multiple_of3A : i32 to index
      %get3A_160 = arith.constant 0 : index
      %get3A_161 = vector.load %arg10[%get3A_159, %get3A_160] : memref<10016x960xf32, #tpu.memory_space<vmem>>, vector<32x960xf32>
      %add3A_162 = arith.addf %get3A_161, %dot_general3A_156 : vector<32x960xf32>
      %swap3A = arith.index_cast %multiple_of3A : i32 to index
      %swap3A_163 = arith.constant 0 : index
      %swap3A_164 = vector.load %arg10[%swap3A, %swap3A_163] : memref<10016x960xf32, #tpu.memory_space<vmem>>, vector<32x960xf32>
      tpu.vector_store %arg10[%swap3A, %swap3A_163], %add3A_162 {strides = array<i32>} : memref<10016x960xf32, #tpu.memory_space<vmem>>, vector<32x960xf32>,
    }
    return
  }
  func.func @transform_0(%arg0: i32, %arg1: memref<625xi32, #tpu.memory_space<smem>>, %arg2: memref<625xi32, #tpu.memory_space<smem>>) -> i32 {
    %c0_i32 = arith.constant 0 : i32
    return %arg0 : i32
  }
  func.func @transform_1(%arg0: i32, %arg1: memref<625xi32, #tpu.memory_space<smem>>, %arg2: memref<625xi32, #tpu.memory_space<smem>>) -> (i32, i32) {
    %c0_i32 = arith.constant 0 : i32
    %c0_i32_0 = arith.constant 0 : i32
    return %c0_i32, %arg0 : i32, i32
  }
  func.func @transform_2(%arg0: i32, %arg1: memref<625xi32, #tpu.memory_space<smem>>, %arg2: memref<625xi32, #tpu.memory_space<smem>>) -> (i32, i32) {
    %c0_i32 = arith.constant 0 : i32
    %c0_i32_0 = arith.constant 0 : i32
    return %arg0, %c0_i32 : i32, i32
  }
  func.func @transform_3(%arg0: i32, %arg1: memref<625xi32, #tpu.memory_space<smem>>, %arg2: memref<625xi32, #tpu.memory_space<smem>>) -> i32 {
    %c0_i32 = arith.constant 0 : i32
    return %arg0 : i32
  }
  func.func @transform_4(%arg0: i32, %arg1: memref<625xi32, #tpu.memory_space<smem>>, %arg2: memref<625xi32, #tpu.memory_space<smem>>) -> (i32, i32) {
    %c0_i32 = arith.constant 0 : i32
    %c0_i32_0 = arith.constant 0 : i32
    %c0_i32_1 = arith.constant 0 : i32
    return %c0_i32, %c0_i32_0 : i32, i32
  }
  func.func @transform_5(%arg0: i32, %arg1: memref<625xi32, #tpu.memory_space<smem>>, %arg2: memref<625xi32, #tpu.memory_space<smem>>) -> (i32, i32) {
    %c0_i32 = arith.constant 0 : i32
    %c0_i32_0 = arith.constant 0 : i32
    %c0_i32_1 = arith.constant 0 : i32
    return %c0_i32, %c0_i32_0 : i32, i32
  }
  func.func @transform_6(%arg0: i32, %arg1: memref<625xi32, #tpu.memory_space<smem>>, %arg2: memref<625xi32, #tpu.memory_space<smem>>) -> (i32, i32) {
    %c0_i32 = arith.constant 0 : i32
    %c0_i32_0 = arith.constant 0 : i32
    %c0_i32_1 = arith.constant 0 : i32
    return %c0_i32, %c0_i32_0 : i32, i32
  }
  func.func @transform_7(%arg0: i32, %arg1: memref<625xi32, #tpu.memory_space<smem>>, %arg2: memref<625xi32, #tpu.memory_space<smem>>) -> (i32, i32) {
    %c0_i32 = arith.constant 0 : i32
    %c0_i32_0 = arith.constant 0 : i32
    %c0_i32_1 = arith.constant 0 : i32
    return %c0_i32, %c0_i32_0 : i32, i32
  }
}

</mosaic_0001>

<sc_bundles>
// kernel: kernel.4.cloned.1.call-start
scs
__scs_entry_jumppad:
0x0: {  	(pc) =	sbr.rel $0x88, $3  }
0x1: {  	(tag) =	ssettag $0x0;
	lr =	simm.s32 $0x1  }
0x2: {  	[smem:$0x3F95] =	sst lr;
	_ =	strace $0xD0000000  }
0x3: {  	_ = 	snop  }
0x4: {  	_ = 	snop  }
0x5: {  	_ = 	snop  }
0x6: {  	_ = 	snop  }
0x7: {  	_ = 	snop  }
__scs_overlays_trampoline_lowered:
0x8: {  	[smem:$0x3FA4] =	sst s0  }
0x9: {  	[smem:$0x3FA5] =	sst s1  }
0xa: {  	[smem:$0x3FA6] =	sst s2  }
0xb: {  	[smem:$0x3FA7] =	sst s3  }
0xc: {  	[smem:$0x3FA8] =	sst s4  }
0xd: {  	[smem:$0x3FA9] =	sst s5  }
0xe: {  	[smem:$0x3FAA] =	sst s6  }
0xf: {  	[smem:$0x3FAB] =	sst s7  }
0x10: {  	[smem:$0x3FAC] =	sst s8  }
0x11: {  	[smem:$0x3FAD] =	sst s9;
	s0 =	simm.s32 @!p0 $0x0  }
0x12: {  	s1 =	sld [smem:$0x3F93];
	s0 =	simm.s32 @p0 $0x1  }
0x13: {  	[smem:$0x3FAE] =	sst s0;
	s0 =	simm.s32 @!p1 $0x0  }
0x14: {  	s2 =	sld [smem:$0x3F92];
	s0 =	simm.s32 @p1 $0x1  }
0x15: {  	[smem:$0x3FAF] =	sst s0;
	s0 =	simm.s32 @!p2 $0x0  }
0x16: {  	s3 =	sld [smem:$0x3FDB];
	s0 =	simm.s32 @p2 $0x1  }
0x17: {  	s4 =	simm.s32 $0x1BF5;
	[smem:$0x3FB1] =	sst s0  }
0x18: {  	s0 =	sld [smem:$0x3F94];
	_ =	swait.ge [sflag:s4], $0x0  }
0x19: {  	s7 =	sld [smem:$0x3F95]  }
0x1a: {  	s8 =	sadd.s32 $0xFFFFE003, lr  }
0x1b: {  	s9 =	sadd.s32 $0xFFFFFEF7, lr;
	s5 =	simm.s32 $0xFFFFFFFF;
	p2 =	slt.u32 s8, $0xFFFFF086  }
0x1c: {  	p1 =	slt.u32 s9, $0xF7A;
	s5 =	simm.s32 @!p2 $0x0  }
0x1d: {  	s5 =	simm.s32 @p1 $0x1;
	p0 =	seq.s32 s7, s2  }
0x1e: {  	s7 =	smul.u32 @!p0 $0xF7A, s2;
	p2 =	seq.s32 @!p0 s5, $0x0  }
0x1f: {  	s9 =	smul.u32 $0xF7A, s1;
	s8 =	simm.s32 @!p0 $0x1BF5;
	p2 =	por !p2, p0  }
0x20: {  	[sflag:s8] =	ssyncset.s32 @!p0 $0xFFFFF086;
	s6 =	sadd.s32 @!p0 s3, s7;
	s7 =	simm.s32 @!p0 $0x108  }
0x21: {  	s3 =	sadd.s32 s3, s9;
	s6 =	sadd.s32 @!p0 $0x88, s6;
	s7 =	simm.s32 @p2 $0x1082  }
0x22: {  	[simem:s7], [sflag:s8] =	dma.local @!p0 [hbm:s6], $0xF7A  }
0x23: {  	s9 =	sor.u32 $0xD0000000, s2;
	s6 =	simm.s32 $0x108;
	_ =	swait.ge @!p0 [sflag:s8], $0x0  }
0x24: {  	s3 =	sadd.s32 $0x88, s3;
	s6 =	simm.s32 @!p1 $0x1082;
	[sflag:s4] =	ssyncset.s32 $0xFFFFF086  }
0x25: {  	[simem:s6], [sflag:s4] =	dma.local [hbm:s3], $0xF7A  }
0x26: {  	[smem:$0x3F95] =	sst s1;
	(tag) =	ssettag s2;
	_ =	strace s9  }
0x27: {  	s1 =	sld [smem:$0x3FA5]  }
0x28: {  	s2 =	sld [smem:$0x3FA6]  }
0x29: {  	s4 =	sld [smem:$0x3FA8]  }
0x2a: {  	p0 =	seq.s32 s5, $0x0;
	s5 =	sld [smem:$0x3FA9]  }
0x2b: {  	s6 =	sld [smem:$0x3FAA]  }
0x2c: {  	s7 =	sld [smem:$0x3FAB]  }
0x2d: {  	s3 =	simm.s32 $0x108;
	s8 =	sld [smem:$0x3FAC]  }
0x2e: {  	s3 =	simm.s32 @!p0 $0x1082;
	s9 =	sld [smem:$0x3FAD]  }
0x2f: {  	lr =	sadd.s32 s0, s3;
	s0 =	sld [smem:$0x3FA4]  }
0x30: {  	s3 =	sld [smem:$0x3FA7]  }
0x31: {  	[smem:$0x3FB0] =	sst s10  }
0x32: {  	s10 =	sld [smem:$0x3FAE];
	_ =	sdelay $0x3  }
0x33: {  	p0 =	seq.s32 s10, $0x1;
	s10 =	sld [smem:$0x3FB0];
	_ =	sdelay $0x3  }
0x34: {  	[smem:$0x3FB0] =	sst s10  }
0x35: {  	s10 =	sld [smem:$0x3FAF];
	_ =	sdelay $0x3  }
0x36: {  	p1 =	seq.s32 s10, $0x1;
	s10 =	sld [smem:$0x3FB0];
	_ =	sdelay $0x3  }
0x37: {  	[smem:$0x3FB0] =	sst s10  }
0x38: {  	s10 =	sld [smem:$0x3FB1]  }
0x39: {  	_ = 	snop;
	(pc) =	sbr.ind lr, $3  }
0x3a: {  	_ = 	snop  }
0x3b: {  	_ = 	snop  }
0x3c: {  	p2 =	seq.s32 s10, $0x1;
	s10 =	sld [smem:$0x3FB0]  }
0x3d: {  	_ =	shalt  }
0x3e: {  	_ =	shalt  }
0x3f: {  	_ =	shalt  }
0x40: {  	_ =	shalt  }
0x41: {  	_ =	shalt  }
0x42: {  	_ =	shalt  }
0x43: {  	_ =	shalt  }
0x44: {  	_ =	shalt  }
0x45: {  	_ =	shalt  }
0x46: {  	_ =	shalt  }
0x47: {  	_ =	shalt  }
0x48: {  	_ =	shalt  }
0x49: {  	_ =	shalt  }
0x4a: {  	_ =	shalt  }
0x4b: {  	_ =	shalt  }
0x4c: {  	_ =	shalt  }
0x4d: {  	_ =	shalt  }
0x4e: {  	_ =	shalt  }
0x4f: {  	_ =	shalt  }
0x50: {  	_ =	shalt  }
0x51: {  	_ =	shalt  }
0x52: {  	_ =	shalt  }
0x53: {  	_ =	shalt  }
0x54: {  	_ =	shalt  }
0x55: {  	_ =	shalt  }
0x56: {  	_ =	shalt  }
0x57: {  	_ =	shalt  }
0x58: {  	_ =	shalt  }
0x59: {  	_ =	shalt  }
0x5a: {  	_ =	shalt  }
0x5b: {  	_ =	shalt  }
0x5c: {  	_ =	shalt  }
0x5d: {  	_ =	shalt  }
0x5e: {  	_ =	shalt  }
0x5f: {  	_ =	shalt  }
0x60: {  	_ =	shalt  }
0x61: {  	_ =	shalt  }
0x62: {  	_ =	shalt  }
0x63: {  	_ =	shalt  }
0x64: {  	_ =	shalt  }
0x65: {  	_ =	shalt  }
0x66: {  	_ =	shalt  }
0x67: {  	_ =	shalt  }
0x68: {  	_ =	shalt  }
0x69: {  	_ =	shalt  }
0x6a: {  	_ =	shalt  }
0x6b: {  	_ =	shalt  }
0x6c: {  	_ =	shalt  }
0x6d: {  	_ =	shalt  }
0x6e: {  	_ =	shalt  }
0x6f: {  	_ =	shalt  }
0x70: {  	_ =	shalt  }
0x71: {  	_ =	shalt  }
0x72: {  	_ =	shalt  }
0x73: {  	_ =	shalt  }
0x74: {  	_ =	shalt  }
0x75: {  	_ =	shalt  }
0x76: {  	_ =	shalt  }
0x77: {  	_ =	shalt  }
0x78: {  	_ =	shalt  }
0x79: {  	_ =	shalt  }
0x7a: {  	_ =	shalt  }
0x7b: {  	_ =	shalt  }
0x7c: {  	_ =	shalt  }
0x7d: {  	_ =	shalt  }
0x7e: {  	_ =	shalt  }
0x7f: {  	_ =	shalt  }
0x80: {  	_ =	shalt  }
0x81: {  	_ =	shalt  }
0x82: {  	_ =	shalt  }
0x83: {  	_ =	shalt  }
0x84: {  	_ =	shalt  }
0x85: {  	_ =	shalt  }
0x86: {  	_ =	shalt  }
0x87: {  	_ =	shalt  }
.Lfunc_end0:
.L_simem_size_0:
called_computation_lowered:
.L_overlay_start_0:
0x88: {  	s2 =	sld [smem:$0x3FD9]  }
0x89: {  	s3 =	sld [smem:$0x3FFE];
	_ =	sdelay $0x1  }
0x8a: {  	s1 =	srdreg.scid  }
0x8b: {  	s0 =	sand.u32 $0x1, s1  }
0x8c: {  	s17 =	sshll.u32 s0, $0xA;
	s2 =	sadd.s32 s3, s2  }
0x8d: {  	s2 =	sadd.s32 s2, s17  }
0x8e: {  	[smem:$0x3FBC] =	sst s2  }
0x8f: {  	_ = 	snop  }
0x90: {  	s2 =	sld [smem:$0x3FC3]  }
0x91: {  	s18 =	sld [smem:$0x3FC2];
	(tm) =	ssettm $0x1  }
0x92: {  	s4 =	sld [smem:$0x3FFB];
	_ =	sdelay $0x3  }
0x93: {  	_ =	strace s4  }
0x94: {  	s4 =	sld [smem:$0x3FFC];
	_ =	sdelay $0x3  }
0x95: {  	_ =	strace s4  }
0x96: {  	s4 =	sld [smem:$0x3FFD];
	_ =	sdelay $0x3  }
0x97: {  	_ =	strace s4  }
0x98: {  	_ =	strace $0x8FFFFFFF  }
0x99: {  	s19 =	sld [smem:$0x3FDB];
	_ =	sdelay $0x1  }
0x9a: {  	s5 =	simm.s32 $_scs_section_size  }
0x9b: {  	s6 =	simm.s32 $_size__tile_overlayer_lowered;
	s7 =	simm.s32 $_tile_overlayer_lowered  }
0x9c: {  	s22 =	simm.s32 $0x1BFF;
	s21 =	sshll.u32 s7, $0x1;
	s4 =	sadd.s32 s5, s19  }
0x9d: {  	s8 =	simm.s32 $0x0;
	s20 =	sshll.u32 s6, $0x1;
	s6 =	sadd.s32 s21, s4  }
0x9e: {  	[timem:s8], [sflag:s22] =	dma.local [hbm:s6], s20  }
0x9f: {  	_ =	swait.ge [sflag:s22], s20  }
0xa0: {  	s5 =	ssub.s32 $0x0, s20;
	[sflag:s22] =	ssyncset.done $0x0  }
0xa1: {  	[sflag:s22] =	ssyncadd.s32 s5;
	_ =	sdelay $0x1  }
0xa2: {  	s23 =	simm.s32 $0x1B8B  }
0xa3: {  	_ =	swait.ge [sflag:s23], $0x1  }
0xa4: {  	[sflag:s23] =	ssyncset.done $0x0  }
0xa5: {  	s25 =	simm.s32 $0x1B8E;
	s24 =	sld [smem:$0x3FFE];
	[sflag:s23] =	ssyncadd.s32 $0xFFFFFFFF  }
0xa6: {  	s26 =	simm.s32 $execute0_lowered;
	[smem:$0x3FD2] =	sst s25  }
0xa7: {  	s6 =	sshll.u32 s26, $0x1;
	_ =	strace $0x80000046;
	[dreg:$0x1] =	wrdreg $0xFFFFFFFF  }
0xa8: {  	s28 =	simm.s32 $_size_execute0_lowered;
	s4 =	sadd.s32 s4, s6;
	[dreg:$0x0] =	wrdreg $0x0  }
0xa9: {  	s6 =	sshll.u32 s28, $0x1;
	[dreg:$0x2] =	wrdreg s4  }
0xaa: {  	[dreg:$0x3] =	wrdreg s6  }
0xab: {  	[dreg:$0x4] =	wrdreg $0xC0  }
0xac: {  	_ =	task [dreg:s8], $0x5FFFF  }
0xad: {  	[dreg:$0x1] =	wrdreg $0xFFFFFFFF  }
0xae: {  	[dreg:$0x0] =	wrdreg $0x60  }
0xaf: {  	[dreg:$0x2] =	wrdreg s18  }
0xb0: {  	[dreg:$0x3] =	wrdreg s2  }
0xb1: {  	[dreg:$0x4] =	wrdreg s24  }
0xb2: {  	[dreg:$0x5] =	wrdreg $0x9  }
0xb3: {  	_ =	task.clear_ibuf [dreg:s8], $0x6FFFF;
	_ =	strace $0x90000046  }
0xb4: {  	s29 =	simm.s32 $0x9;
	_ =	strace $0x80000048  }
0xb5: {  	_ =	swait.ge [sflag:s29], $0x1  }
0xb6: {  	[sflag:s29] =	ssyncadd.s32 $0xFFFFFFFF  }
0xb7: {  	_ =	strace $0x90000048  }
0xb8: {  	_ =	sfence  }
0xb9: {  	s30 =	sld [smem:$0x0];
	_ =	sdelay $0x2  }
0xba: {  	s31 =	sshll.u32 s1, $0xD;
	s1 =	sshrl.u32 s1, $0x2  }
0xbb: {  	s3 =	sand.u32 $0x4000, s31;
	s1 =	sadd.s32 s1, s30  }
0xbc: {  	s0 =	sor.u32 s3, s0;
	s1 =	sshll.u32 s1, $0x11  }
0xbd: {  	s0 =	sor.u32 s1, s0  }
0xbe: {  	s0 =	sadd.s32 $0x8F2B, s0  }
0xbf: {  	[sflag:s0] =	ssyncadd.remote.s32 $0x1  }
0xc0: {  	_ =	sfence.sel $0xFFFF  }
0xc1: {  	[dreg:$0x0] =	wrdreg $0xFFFFFFFF;
	(pc) =	sbr.abs _section_cstart, $3  }
0xc2: {  	[dreg:$0x1] =	wrdreg $0xFFFFFFFF  }
0xc3: {  	_ =	task.clear_ibuf [dreg:s8], $0x2FFFF;
	_ =	strace $0x9FFFFFFF  }
0xc4: {  	(tm) =	ssettm $0x7FFFFFFF  }
0xc5: {  	_ =	shalt  }
tec
execute0_lowered:
.L_overlay_start_1:
0x0: {  	(tag) =	ssettag $0x1  }
0x1: {  	s1 =	rddreg [dreg:$0x0]  }
0x2: {  	s4 =	rddreg [dreg:$0x1]  }
0x3: {  	s5 =	rddreg [dreg:$0x2]  }
0x4: {  	s0 =	rddreg [dreg:$0x3];
	s6 =	srdreg.scid  }
0x5: {  	s2 =	stileid.u32;
	s3 =	simm.s32 $0x0;
	s12 =	simm.s32 $0x2780  }
0x6: {  	s13 =	simm.s32 $0x4F80;
	s14 =	simm.s32 $0x1;
	s15 =	simm.s32 $0x3  }
0x7: {  	s16 =	simm.s32 $0xA0;
	s17 =	simm.s32 $0x2;
	s18 =	simm.s32 $0x4  }
0x8: {  	s6 =	sand.u32 $0x1, s6;
	s7 =	sshll.u32 s2, $0x1;
	s30 =	smul.u32 $0x4E200, s2  }
0x9: {  	s19 =	simm.s32 $0x0;
	s7 =	sor.u32 s6, s7;
	s31 =	smul.u32 $0x27100, s6  }
0xa: {  	[smem:$0x7FF] =	sst s3;
	s8 =	ssub.s32 $0x2, s6;
	s9 =	smul.u32 $0x138800, s7  }
0xb: {  	s10 =	sadd.s32 $0x1800, s5;
	s26 =	sshrl.u32 s8, $0x1;
	s11 =	smul.u32 $0x2710, s7  }
0xc: {  	_ =	strace $0x80000047;
	s7 =	smul.u32 $0x27100, s7;
	s8 =	ssub.s32 s8, s26  }
0xd: {  	s28 =	sshrl.u32 s9, $0x3;
	s29 =	sshrl.u32 s11, $0x3;
	s6 =	smax.u32 s8, $0x1  }
0xe: {  	s7 =	sadd.s32 s10, s7;
	s11 =	simm.s32 $0x50;
	s5 =	sadd.s32 s10, s28  }
0xf: {  	s4 =	sadd.s32 s4, s29;
	s10 =	sadd.s32 s30, s10;
	s8 =	sadd.s32 $0x500, s7  }
0x10: {  	s5 =	sadd.s32 $0x26C00, s5;
	s9 =	sadd.s32 s31, s10;
	s10 =	simm.s32 $0x5  }
.LBB2_1:
0x11: {  	[tilespmem:s3], [sflag:$0x5] =	stream.linear.gather [hbm4b:s4+s3], $0x2710, $0x38;
	[tilespmem:$0x7780] =	vst v63  }
0x12: {  	_ =	swait.ge [sflag:s10], $0x2710  }
0x13: {  	[sflag:s10] =	ssyncset.done $0x0  }
0x14: {  	[sflag:s10] =	ssyncadd.s32 $0xFFFFD8F0  }
0x15: {  	[tilespmem:s12], [sflag:$0x1] =	stream.indirect.gather [hbm4b:s1+s11], $0x80, s3, s11, $0xb8;
	[tilespmem:$0x7780] =	vst v63  }
0x16: {  	_ = 	snop  }
0x17: {  	[tilespmem:s13], [sflag:$0x2] =	stream.indirect.gather [hbm4b:s1+s11], $0x80, s11, s11, $0xb8;
	[tilespmem:$0x7780] =	vst v63  }
0x18: {  	_ =	swait.ge [sflag:s14], $0x2800  }
0x19: {  	[sflag:s14] =	ssyncset.done $0x0  }
0x1a: {  	[sflag:s14] =	ssyncadd.s32 $0xFFFFD800  }
0x1b: {  	[hbm4b:s7+s3] =	stream.linear.scatter [tilespmem:s12], [sflag:$0x3], $0x2800, $0x38;
	[tilespmem:$0x7780] =	vst v63  }
0x1c: {  	_ =	swait.ge [sflag:s15], $0x2800  }
0x1d: {  	[sflag:s15] =	ssyncset.done $0x0  }
0x1e: {  	[sflag:s15] =	ssyncadd.s32 $0xFFFFD800  }
0x1f: {  	[tilespmem:s12], [sflag:$0x1] =	stream.indirect.gather [hbm4b:s1+s11], $0x80, s16, s11, $0xb8;
	[tilespmem:$0x7780] =	vst v63  }
0x20: {  	_ =	swait.ge [sflag:s17], $0x2800  }
0x21: {  	[sflag:s17] =	ssyncset.done $0x0  }
0x22: {  	[sflag:s17] =	ssyncadd.s32 $0xFFFFD800  }
0x23: {  	[hbm4b:s8+s3] =	stream.linear.scatter [tilespmem:s13], [sflag:$0x4], $0x2800, $0x38;
	[tilespmem:$0x7780] =	vst v63  }
0x24: {  	_ =	swait.ge [sflag:s18], $0x2800  }
0x25: {  	[sflag:s18] =	ssyncset.done $0x0  }
0x26: {  	s20 =	simm.s32 $0xF0;
	[sflag:s18] =	ssyncadd.s32 $0xFFFFD800  }
0x27: {  	[tilespmem:s13], [sflag:$0x2] =	stream.indirect.gather [hbm4b:s1+s11], $0x80, s20, s11, $0xb8;
	[tilespmem:$0x7780] =	vst v63  }
0x28: {  	_ =	swait.ge [sflag:s14], $0x2800  }
0x29: {  	s21 =	sadd.s32 $0x0, s9;
	[sflag:s14] =	ssyncset.done $0x0  }
0x2a: {  	s30 =	sadd.s32 $0xA00, s21;
	[sflag:s14] =	ssyncadd.s32 $0xFFFFD800  }
0x2b: {  	[hbm4b:s30+s3] =	stream.linear.scatter [tilespmem:s12], [sflag:$0x3], $0x2800, $0x38;
	[tilespmem:$0x7780] =	vst v63  }
0x2c: {  	_ =	swait.ge [sflag:s15], $0x2800  }
0x2d: {  	[sflag:s15] =	ssyncset.done $0x0  }
0x2e: {  	s31 =	simm.s32 $0x140;
	[sflag:s15] =	ssyncadd.s32 $0xFFFFD800  }
0x2f: {  	[tilespmem:s12], [sflag:$0x1] =	stream.indirect.gather [hbm4b:s1+s11], $0x80, s31, s11, $0xb8;
	[tilespmem:$0x7780] =	vst v63  }
0x30: {  	_ =	swait.ge [sflag:s17], $0x2800  }
0x31: {  	s22 =	sadd.s32 $0xF00, s21;
	[sflag:s17] =	ssyncset.done $0x0  }
0x32: {  	s21 =	simm.s32 $0x190;
	s20 =	simm.s32 $0xA00;
	[sflag:s17] =	ssyncadd.s32 $0xFFFFD800  }
.LBB2_2:
0x33: {  	[hbm4b:s22+s3] =	stream.linear.scatter [tilespmem:s13], [sflag:$0x4], $0x2800, $0x38;
	[tilespmem:$0x7780] =	vst v63  }
0x34: {  	s22 =	smov.u32 s20  }
0x35: {  	p0 =	sne.s32 s20, $0x25800;
	s20 =	sadd.s32 $0xA00, s20;
	_ =	swait.ge [sflag:s18], $0x2800  }
0x36: {  	[sflag:s18] =	ssyncset.done $0x0  }
0x37: {  	[sflag:s18] =	ssyncadd.s32 $0xFFFFD800  }
0x38: {  	[tilespmem:s13], [sflag:$0x2] =	stream.indirect.gather [hbm4b:s1+s11], $0x80, s21, s11, $0xb8;
	[tilespmem:$0x7780] =	vst v63  }
0x39: {  	_ =	swait.ge [sflag:s14], $0x2800  }
0x3a: {  	s22 =	sadd.s32 s22, s9;
	[sflag:s14] =	ssyncset.done $0x0  }
0x3b: {  	s23 =	sadd.s32 $0xA00, s22;
	[sflag:s14] =	ssyncadd.s32 $0xFFFFD800  }
0x3c: {  	[hbm4b:s23+s3] =	stream.linear.scatter [tilespmem:s12], [sflag:$0x3], $0x2800, $0x38;
	[tilespmem:$0x7780] =	vst v63  }
0x3d: {  	_ =	swait.ge [sflag:s15], $0x2800  }
0x3e: {  	[sflag:s15] =	ssyncset.done $0x0  }
.Ltmp0:
0x3f: {  	s23 =	sadd.s32 $0x50, s21;
	[sflag:s15] =	ssyncadd.s32 $0xFFFFD800;
	(pc) =	sbr.rel @p0 .LBB2_2-.Ltmp0, $4  }
0x40: {  	[tilespmem:s12], [sflag:$0x1] =	stream.indirect.gather [hbm4b:s1+s11], $0x80, s23, s11, $0xb8;
	[tilespmem:$0x7780] =	vst v63  }
0x41: {  	_ =	swait.ge [sflag:s17], $0x2800  }
0x42: {  	[sflag:s17] =	ssyncset.done $0x0  }
0x43: {  	s22 =	sadd.s32 $0xF00, s22;
	s21 =	sadd.s32 $0xA0, s21;
	[sflag:s17] =	ssyncadd.s32 $0xFFFFD800  }
0x44: {  	[hbm4b:s22+s3] =	stream.linear.scatter [tilespmem:s13], [sflag:$0x4], $0x2800, $0x38;
	[tilespmem:$0x7780] =	vst v63  }
0x45: {  	_ =	swait.ge [sflag:s18], $0x2800  }
0x46: {  	[sflag:s18] =	ssyncset.done $0x0  }
0x47: {  	[sflag:s18] =	ssyncadd.s32 $0xFFFFD800  }
0x48: {  	s19 =	sadd.s32 $0x1, s19;
	_ =	swait.ge [sflag:s14], $0x2800  }
0x49: {  	p0 =	sne.s32 s19, s6;
	[sflag:s14] =	ssyncset.done $0x0  }
.Ltmp1:
0x4a: {  	[sflag:s14] =	ssyncadd.s32 $0xFFFFD800;
	(pc) =	sbr.rel @p0 .LBB2_1-.Ltmp1, $4  }
0x4b: {  	[hbm4b:s5+s3] =	stream.linear.scatter [tilespmem:s12], [sflag:$0x3], $0x2800, $0x38;
	[tilespmem:$0x7780] =	vst v63  }
0x4c: {  	_ =	swait.ge [sflag:s15], $0x2800  }
0x4d: {  	[sflag:s15] =	ssyncset.done $0x0  }
0x4e: {  	[sflag:s15] =	ssyncadd.s32 $0xFFFFD800  }
0x4f: {  	_ =	sfence.sel $0x180000  }
0x50: {  	[bflag:$0x0] =	sbarrier.arrive $0xFFFF  }
0x51: {  	p0 =	sne.s32 s2, $0x0;
	_ =	strace $0x90000047  }
0x52: {  	s0 =	sadd.s32 @!p0 $0x100000, s0;
	[bflag:$0x2] =	sbarrier.arrive $0xFFFF  }
0x53: {  	[sflag:s0] =	ssyncadd.tile.s32 @!p0 $0x1;
	_ =	shalt  }
.Lfunc_end2:
_tile_overlayer_lowered:
.L_overlay_start_2:
0x54: {  	(tag) =	ssettag $0x2  }
0x55: {  	s0 =	rddreg [dreg:$0x0];
	s2 =	stileid.u32  }
0x56: {  	s1 =	rddreg [dreg:$0x1];
	p0 =	sne.s32 s2, $0x0  }
0x57: {  	s3 =	rddreg [dreg:$0x2];
	[bflag:$0x3] =	sbarrier.arrive $0xFFFF;
	s2 =	simm.s32 @!p0 $0x1C05  }
0x58: {  	[timem:s3], [sflag:s2] =	dma.local @!p0 [hbm:s0], s1  }
0x59: {  	s0 =	simm.s32 @!p0 $0x5  }
0x5a: {  	_ =	swait.ge @!p0 [sflag:s0], s1  }
0x5b: {  	s1 =	ssub.s32 @!p0 $0x0, s1;
	[sflag:s0] =	ssyncset.done @!p0 $0x0  }
0x5c: {  	[sflag:s0] =	ssyncadd.s32 @!p0 s1  }
0x5d: {  	[bflag:$0x3] =	sbarrier.arrive $0xFFFF  }
0x5e: {  	_ =	shalt  }

</sc_bundles>
